<compile_context>
chip_gen: v7x
topology: tpu7x:2x2x1
jax: 0.10.2.dev20260603
libtpu: 0.0.44.dev20260713+nightly
codegen_flags: <defaults>
</compile_context>

<pallas_src>
import jax
import jax.numpy as jnp
from jax.experimental import pallas as pl
from jax.experimental.pallas import tpu as pltpu

_T = 32


def _copy_body(in_ref, out_ref):
    out_ref[...] = in_ref[...]


def _copy3d(x, block):
    n, t, width = x.shape
    grid = n // block
    return pl.pallas_call(
        _copy_body,
        out_shape=jax.ShapeDtypeStruct(x.shape, x.dtype),
        grid=(grid,),
        in_specs=[pl.BlockSpec((block, t, width), lambda i: (i, 0, 0))],
        out_specs=pl.BlockSpec((block, t, width), lambda i: (i, 0, 0)),
        compiler_params=pltpu.CompilerParams(
            vmem_limit_bytes=60 * 1024 * 1024,
        ),
    )(x)


def kernel(emb_user, emb_item):
    u_shape, i_shape = emb_user.shape, emb_item.shape
    u3 = emb_user.reshape(-1, _T, 64)
    i3 = emb_item.reshape(-1, _T, 64)
    out_u = _copy3d(u3, 625)
    out_i = _copy3d(i3, 625)
    return (out_u.reshape(u_shape), out_i.reshape(i_shape))

# --- scband reference (transcript-rebuilt; emitter-appended) ---
"""Pipeline reference for scband-hetero-feature-1546188226861 (READ-ONLY COPY).

The authoritative reference and input builder live on the scoring server;
editing this copy changes nothing except your own understanding.
"""

import jax, jax.numpy as jnp
import numpy as np

N_USER = 1000000
N_ITEM = 100000
EMBED = 64

def setup_inputs(seed: int = 0) -> dict:
    key = jax.random.key(seed)
    k1, k2 = jax.random.split(key)
    # Learned embedding tables built by HeteroEmbedding for every node type
    # (h_dict is empty, so all node types get embeddings; linear_dict is empty).
    emb_user = jax.random.normal(k1, (N_USER, EMBED), dtype=jnp.float32)
    emb_item = jax.random.normal(k2, (N_ITEM, EMBED), dtype=jnp.float32)
    return {"emb_user": emb_user, "emb_item": emb_item}

def reference(emb_user, emb_item):
    # HeteroFeature.forward():
    #   out_dict = {} ; out_dict.update(self.embes.weight)  -> full embedding tables per ntype
    #   tmp = self.linear(self.h_dict)  -> {} since h_dict is empty
    #   act is None, so no activation applied
    # Returns a dict {ntype: full embedding table}; represented here as a tuple
    # in fixed ntype order ('user', 'item').
    out_user = emb_user
    out_item = emb_item
    return (out_user, out_item)

if __name__ == "__main__":
    import jax
    _d = setup_inputs()
    print(jax.jit(kernel)(*tuple(_d.values())))

</pallas_src>

<mosaic_0001>
module attributes {stable_mosaic.version = 14 : i64} {
  func.func @_copy_body(%arg0: i32, %arg1: memref<625x32x64xf32, #tpu.memory_space<vmem>>, %arg2: memref<625x32x64xf32, #tpu.memory_space<vmem>>) attributes {dimension_semantics = [#tpu.dimension_semantics<arbitrary>], iteration_bounds = array<i64: 50>, scalar_prefetch = 0 : i64, scratch_operands = 0 : i64, tpu.core_type = #tpu.core_type<tc>, window_params = [{transform_indices = @transform_0, window_bounds = array<i64: 625, 32, 64>}, {transform_indices = @transform_1, window_bounds = array<i64: 625, 32, 64>}]} {
    %get3A = arith.constant 0 : index
    %get3A_0 = arith.constant 0 : index
    %get3A_1 = arith.constant 0 : index
    %get3A_2 = vector.load %arg1[%get3A, %get3A_0, %get3A_1] : memref<625x32x64xf32, #tpu.memory_space<vmem>>, vector<625x32x64xf32>
    %swap3A = arith.constant 0 : index
    %swap3A_3 = arith.constant 0 : index
    %swap3A_4 = arith.constant 0 : index
    %swap3A_5 = vector.load %arg2[%swap3A, %swap3A_3, %swap3A_4] : memref<625x32x64xf32, #tpu.memory_space<vmem>>, vector<625x32x64xf32>
    tpu.vector_store %arg2[%swap3A, %swap3A_3, %swap3A_4], %get3A_2 {strides = array<i32>} : memref<625x32x64xf32, #tpu.memory_space<vmem>>, vector<625x32x64xf32>,
    return
  }
  func.func @transform_0(%arg0: i32) -> (i32, i32, i32) {
    %c0_i32 = arith.constant 0 : i32
    %c0_i32_0 = arith.constant 0 : i32
    %c0_i32_1 = arith.constant 0 : i32
    return %arg0, %c0_i32, %c0_i32_0 : i32, i32, i32
  }
  func.func @transform_1(%arg0: i32) -> (i32, i32, i32) {
    %c0_i32 = arith.constant 0 : i32
    %c0_i32_0 = arith.constant 0 : i32
    %c0_i32_1 = arith.constant 0 : i32
    return %arg0, %c0_i32, %c0_i32_0 : i32, i32, i32
  }
}

module attributes {stable_mosaic.version = 14 : i64} {
  func.func @_copy_body(%arg0: i32, %arg1: memref<625x32x64xf32, #tpu.memory_space<vmem>>, %arg2: memref<625x32x64xf32, #tpu.memory_space<vmem>>) attributes {dimension_semantics = [#tpu.dimension_semantics<arbitrary>], iteration_bounds = array<i64: 5>, scalar_prefetch = 0 : i64, scratch_operands = 0 : i64, tpu.core_type = #tpu.core_type<tc>, window_params = [{transform_indices = @transform_0, window_bounds = array<i64: 625, 32, 64>}, {transform_indices = @transform_1, window_bounds = array<i64: 625, 32, 64>}]} {
    %get3A = arith.constant 0 : index
    %get3A_0 = arith.constant 0 : index
    %get3A_1 = arith.constant 0 : index
    %get3A_2 = vector.load %arg1[%get3A, %get3A_0, %get3A_1] : memref<625x32x64xf32, #tpu.memory_space<vmem>>, vector<625x32x64xf32>
    %swap3A = arith.constant 0 : index
    %swap3A_3 = arith.constant 0 : index
    %swap3A_4 = arith.constant 0 : index
    %swap3A_5 = vector.load %arg2[%swap3A, %swap3A_3, %swap3A_4] : memref<625x32x64xf32, #tpu.memory_space<vmem>>, vector<625x32x64xf32>
    tpu.vector_store %arg2[%swap3A, %swap3A_3, %swap3A_4], %get3A_2 {strides = array<i32>} : memref<625x32x64xf32, #tpu.memory_space<vmem>>, vector<625x32x64xf32>,
    return
  }
  func.func @transform_0(%arg0: i32) -> (i32, i32, i32) {
    %c0_i32 = arith.constant 0 : i32
    %c0_i32_0 = arith.constant 0 : i32
    %c0_i32_1 = arith.constant 0 : i32
    return %arg0, %c0_i32, %c0_i32_0 : i32, i32, i32
  }
  func.func @transform_1(%arg0: i32) -> (i32, i32, i32) {
    %c0_i32 = arith.constant 0 : i32
    %c0_i32_0 = arith.constant 0 : i32
    %c0_i32_1 = arith.constant 0 : i32
    return %arg0, %c0_i32, %c0_i32_0 : i32, i32, i32
  }
}

</mosaic_0001>

<sc_bundles>
// kernel: sparse-core-data-format-call.cloned.1.call-start
scs
called_computation_lowered:
.L_overlay_start_0:
0x0: {  	s2 =	sld [smem:$0x3FD9]  }
0x1: {  	s3 =	sld [smem:$0x3FFE];
	_ =	sdelay $0x1  }
0x2: {  	s1 =	srdreg.scid  }
0x3: {  	s0 =	sand.u32 $0x1, s1  }
0x4: {  	s15 =	sshll.u32 s0, $0xA;
	s2 =	sadd.s32 s3, s2  }
0x5: {  	s2 =	sadd.s32 s2, s15  }
0x6: {  	[smem:$0x3FC6] =	sst s2  }
0x7: {  	_ = 	snop  }
0x8: {  	s2 =	sld [smem:$0x3FD0];
	_ =	sdelay $0x2  }
0x9: {  	s16 =	simm.s32 $0xA;
	s4 =	simm.s32 $0x10  }
0xa: {  	[smem:s4], [sflag:s16] =	dma.local [hbm:s2], $0x1  }
0xb: {  	_ =	swait.eq [sflag:s16], $0x1  }
0xc: {  	[sflag:s16] =	ssyncset.done $0x0  }
0xd: {  	[sflag:s16] =	ssyncadd.s32 $0xFFFFFFFF  }
0xe: {  	s17 =	sld [smem:$0x10];
	(tm) =	ssettm $0x1  }
0xf: {  	s18 =	sld [smem:$0x3FFB];
	_ =	sdelay $0x3  }
0x10: {  	_ =	strace s18  }
0x11: {  	s3 =	sld [smem:$0x3FFC];
	_ =	sdelay $0x3  }
0x12: {  	_ =	strace s3  }
0x13: {  	s3 =	sld [smem:$0x3FFD];
	_ =	sdelay $0x3  }
0x14: {  	_ =	strace s3  }
0x15: {  	_ =	strace $0x8FFFFFFF  }
0x16: {  	s19 =	sld [smem:$0x3FDB];
	_ =	sdelay $0x1  }
0x17: {  	s20 =	simm.s32 $_scs_section_size  }
0x18: {  	s5 =	simm.s32 $_size__tile_overlayer_lowered;
	s6 =	simm.s32 $_tile_overlayer_lowered  }
0x19: {  	s23 =	simm.s32 $0x1BFF;
	s22 =	sshll.u32 s6, $0x1;
	s3 =	sadd.s32 s20, s19  }
0x1a: {  	s7 =	simm.s32 $0x0;
	s21 =	sshll.u32 s5, $0x1;
	s5 =	sadd.s32 s22, s3  }
0x1b: {  	[timem:s7], [sflag:s23] =	dma.local [hbm:s5], s21  }
0x1c: {  	_ =	swait.ge [sflag:s23], s21  }
0x1d: {  	s4 =	ssub.s32 $0x0, s21;
	[sflag:s23] =	ssyncset.done $0x0  }
0x1e: {  	[sflag:s23] =	ssyncadd.s32 s4;
	_ =	sdelay $0x1  }
0x1f: {  	s24 =	simm.s32 $0x1B8B  }
0x20: {  	_ =	swait.ge [sflag:s24], $0x1  }
0x21: {  	[sflag:s24] =	ssyncset.done $0x0  }
0x22: {  	s26 =	simm.s32 $0x1B8E;
	s25 =	sld [smem:$0x3FFE];
	[sflag:s24] =	ssyncadd.s32 $0xFFFFFFFF  }
0x23: {  	s27 =	simm.s32 $execute0_lowered;
	[smem:$0x3FD2] =	sst s26  }
0x24: {  	s5 =	sshll.u32 s27, $0x1;
	_ =	strace $0x80000046;
	[dreg:$0x1] =	wrdreg $0xFFFFFFFF  }
0x25: {  	s28 =	simm.s32 $_size_execute0_lowered;
	s3 =	sadd.s32 s3, s5;
	[dreg:$0x0] =	wrdreg $0x0  }
0x26: {  	s5 =	sshll.u32 s28, $0x1;
	[dreg:$0x2] =	wrdreg s3  }
0x27: {  	[dreg:$0x3] =	wrdreg s5  }
0x28: {  	[dreg:$0x4] =	wrdreg $0xC0  }
0x29: {  	_ =	task [dreg:s7], $0x5FFFF  }
0x2a: {  	[dreg:$0x1] =	wrdreg $0xFFFFFFFF  }
0x2b: {  	[dreg:$0x0] =	wrdreg $0x60  }
0x2c: {  	[dreg:$0x2] =	wrdreg s25  }
0x2d: {  	[dreg:$0x3] =	wrdreg s17  }
0x2e: {  	[dreg:$0x4] =	wrdreg $0x9  }
0x2f: {  	_ =	task.clear_ibuf [dreg:s7], $0x5FFFF;
	_ =	strace $0x90000046  }
0x30: {  	s29 =	simm.s32 $0x9;
	_ =	strace $0x80000048  }
0x31: {  	_ =	swait.ge [sflag:s29], $0x1  }
0x32: {  	[sflag:s29] =	ssyncadd.s32 $0xFFFFFFFF  }
0x33: {  	_ =	strace $0x90000048  }
0x34: {  	_ =	sfence  }
0x35: {  	s30 =	sld [smem:$0x0];
	_ =	sdelay $0x2  }
0x36: {  	s31 =	sshll.u32 s1, $0xD;
	s1 =	sshrl.u32 s1, $0x2  }
0x37: {  	s3 =	sand.u32 $0x4000, s31;
	s1 =	sadd.s32 s1, s30  }
0x38: {  	s0 =	sor.u32 s3, s0;
	s1 =	sshll.u32 s1, $0x11  }
0x39: {  	s0 =	sor.u32 s1, s0  }
0x3a: {  	s0 =	sadd.s32 $0x8F2B, s0  }
0x3b: {  	[sflag:s0] =	ssyncadd.remote.s32 $0x1  }
0x3c: {  	_ =	sfence.sel $0xFFFF  }
0x3d: {  	[dreg:$0x0] =	wrdreg $0xFFFFFFFF;
	(pc) =	sbr.abs _section_cstart, $3  }
0x3e: {  	[dreg:$0x1] =	wrdreg $0xFFFFFFFF  }
0x3f: {  	_ =	task.clear_ibuf [dreg:s7], $0x2FFFF;
	_ =	strace $0x9FFFFFFF  }
0x40: {  	(tm) =	ssettm $0x7FFFFFFF  }
0x41: {  	_ =	shalt  }
tec
execute0_lowered:
.L_overlay_start_1:
0x0: {  	(tag) =	ssettag $0x1  }
0x1: {  	s4 =	rddreg [dreg:$0x0]  }
0x2: {  	s0 =	srdreg.scid;
	s2 =	rddreg [dreg:$0x1]  }
0x3: {  	s1 =	stileid.u32;
	s5 =	simm.s32 $0x1;
	s0 =	sshll.u32 s0, $0x4  }
0x4: {  	s7 =	simm.s32 $0x2;
	s11 =	simm.s32 $0x0;
	s3 =	sand.u32 $0x10, s0  }
.Ltmp0:
0x5: {  	p0 =	por $0x0, $0x0;
	s3 =	sor.u32 s1, s3;
	(pc) =	sbr.rel .LBB1_1-.Ltmp0, $4  }
0x6: {  	s8 =	simm.s32 $0x7A1400;
	s10 =	simm.s32 $0x0;
	s3 =	sshll.u32 s3, $0x7  }
0x7: {  	s0 =	rddreg [dreg:$0x2];
	_ =	strace $0x80000047;
	s6 =	ssub.s32 $0xF4200, s3  }
0x8: {  	s4 =	sadd.s32 $0xF42A00, s4;
	[sflag:s5] =	ssyncpa.u1 $0x0;
	s6 =	sshrl.u32 s6, $0xC  }
0x9: {  	[sflag:s7] =	ssyncpa.u1 $0x0;
	s9 =	smov.u32 s3;
	s7 =	sadd.s32 $0x2, s6  }
.LBB1_5:
0xa: {  	s13 =	sadd.s32 $0x1000, s9  }
0xb: {  	p2 =	sgt.s32 s13, $0xF423F  }
0xc: {  	s13 =	smov.u32 @p2 s3;
	p2 =	sne.s32 s10, s7  }
.Ltmp1:
0xd: {  	p1 =	slt.u32 s10, $0x2;
	(pc) =	sbr.rel @!p2 .LBB1_6-.Ltmp1, $4  }
0xe: {  	s12 =	simm.s32 @!p1 $0x2  }
0xf: {  	s14 =	sadd.s32 $0x1, s10;
	_ =	swait.ge @!p1 [sflag:s12], $0x2000  }
0x10: {  	s11 =	smov.u32 s9;
	p0 =	por !p0, !p0;
	[sflag:s12] =	ssyncset.done @!p1 $0x0  }
0x11: {  	s10 =	smov.u32 s14;
	s9 =	smov.u32 s13;
	[sflag:s12] =	ssyncadd.s32 @!p1 $0xFFFFE000  }
.LBB1_1:
0x12: {  	p1 =	sgt.u32 s10, s6  }
0x13: {  	s13 =	smov.u32 s9;
	p2 =	sgt.s32 @!p1 s9, $0xF41C0  }
0x14: {  	s12 =	sand.u32 @!p1 $0x1FFFFFF, s9;
	s14 =	sshra.s32 @!p1 s9, $0x1F;
	p2 =	por !p2, p1  }
0x15: {  	s15 =	smulhi.u32 @!p1 $0x218DEF5, s12;
	s14 =	sand.u32 @!p1 s14, s9;
	s13 =	simm.s32 @p2 $0xF41C0  }
0x16: {  	s13 =	ssub.s32 @!p1 s13, s14  }
0x17: {  	s14 =	sshrl.u32 @!p1 s15, $0xD;
	s13 =	sadd.s32 @!p1 $0xFFF0BE40, s13  }
0x18: {  	s15 =	sxor.u32 @!p1 $0xFFFFFFFF, s10;
	s14 =	smul.u32 @!p1 $0xF4240, s14;
	s16 =	sshll.u32 @!p1 s13, $0x8  }
0x19: {  	s15 =	sshll.u32 @!p1 s15, $0xD;
	p2 =	sgt.s32 @!p1 s13, $0x7F;
	s13 =	ssub.s32 @!p1 $0x8000, s16  }
0x1a: {  	s12 =	ssub.s32 @!p1 s12, s14;
	p2 =	por !p2, p1;
	s14 =	sand.u32 @!p1 $0x2000, s15  }
0x1b: {  	s15 =	simm.s32 @!p1 $0x40;
	s13 =	sshrl.u32 @!p1 s13, $0x2;
	s12 =	sshll.u32 @!p1 s12, $0x4  }
0x1c: {  	s16 =	simm.s32 @!p1 $0x80;
	s13 =	simm.s32 @!p2 $0x0;
	s12 =	sadd.s32 @!p1 s4, s12  }
0x1d: {  	[tilespmem:s14], [sflag:$0x1] =	stream.strided.gather @!p1 [hbm4b:s12+s15], s13, s16, s15, $0x38;
	[tilespmem:$0x8080] =	vst v63  }
0x1e: {  	p1 =	seq.s32 s10, $0x0  }
0x1f: {  	p2 =	sge.u32 @!p1 s10, s7  }
0x20: {  	p1 =	por p1, p2  }
.Ltmp2:
0x21: {  	_ = 	snop;
	(pc) =	sbr.rel @p1 .LBB1_5-.Ltmp2, $1  }
0x22: {  	_ =	sdelay $0x3  }
0x23: {  	p1 =	sgt.s32 s11, $0xF41C0;
	s12 =	smov.u32 s11;
	s13 =	sshra.s32 s11, $0x1F  }
0x24: {  	s12 =	simm.s32 @!p1 $0xF41C0;
	s13 =	sand.u32 s13, s11  }
0x25: {  	s12 =	ssub.s32 s12, s13  }
0x26: {  	s12 =	sadd.s32 $0xFFF0BE40, s12  }
0x27: {  	s28 =	sshll.u32 s12, $0x8  }
0x28: {  	s13 =	ssub.s32 $0x8000, s28  }
0x29: {  	p1 =	sgt.s32 s12, $0x7F;
	s12 =	sshrl.u32 s13, $0x2  }
0x2a: {  	s13 =	simm.s32 $0x1;
	s12 =	simm.s32 @p1 $0x0  }
0x2b: {  	s13 =	simm.s32 @!p0 $0x0;
	_ =	swait.ge [sflag:s5], s12  }
0x2c: {  	s14 =	sshll.u32 s13, $0xD;
	s12 =	ssub.s32 $0x0, s12;
	[sflag:s5] =	ssyncset.done $0x0  }
0x2d: {  	s16 =	sor.u32 $0x20, s14;
	[sflag:s5] =	ssyncadd.s32 s12  }
0x2e: {  	s29 =	smul.u32 $0x8100, s13;
	v3 =	vld [tilespmem:s16+$0x10]  }
0x2f: {  	s30 =	sand.u32 $0x1, s10;
	v2 =	vld [tilespmem:s16+$0xFFFFFFF0]  }
0x30: {  	s13 =	smul.u32 $0x8100, s30;
	s12 =	sshrl.u32 s29, $0x2;
	v0 =	vld [tilespmem:s16+$0x0]  }
0x31: {  	s14 =	sor.u32 $0x4000, s12;
	v1 =	vld [tilespmem:s16+$0xFFFFFFE0]  }
0x32: {  	s31 =	sshrl.u32 s13, $0x2;
	s13 =	sadd.s32 $0x0, s14  }
0x33: {  	s15 =	simm.s32 $0x4;
	s12 =	sor.u32 $0x4000, s31;
	s16 =	sadd.s32 $0x40, s16;
	[tilespmem:s13+$0x1830 ss:$0x81] =	vst.msk $0xffff, v3  }
.LBB1_3:
0x34: {  	v3 =	vld [tilespmem:s16+$0x10];
	p1 =	sne.s32 s15, $0x1FC;
	[tilespmem:s13+$0x810 ss:$0x81] =	vst.msk $0xffff, v2;
	s17 =	smov.u32 s15;
	s15 =	sadd.s32 $0x4, s15  }
.Ltmp3:
0x35: {  	v2 =	vld [tilespmem:s16+$0xFFFFFFF0];
	[tilespmem:s13+$0x1020 ss:$0x81] =	vst.msk $0xffff, v0;
	(pc) =	sbr.rel @p1 .LBB1_3-.Ltmp3, $4  }
0x36: {  	v0 =	vld [tilespmem:s16+$0x0];
	[tilespmem:s13+$0x0 ss:$0x81] =	vst.msk $0xffff, v1  }
0x37: {  	s13 =	sshra.s32 s17, $0x2;
	v1 =	vld [tilespmem:s16+$0xFFFFFFE0]  }
0x38: {  	s13 =	sadd.s32 s13, s14  }
0x39: {  	s16 =	sadd.s32 $0x40, s16;
	[tilespmem:s13+$0x1830 ss:$0x81] =	vst.msk $0xffff, v3  }
0x3a: {  	s14 =	sshll.u32 s11, $0x3  }
0x3b: {  	s30 =	sand.u32 $0x7F, s11;
	s14 =	sand.u32 $0xFFFFFC00, s14  }
0x3c: {  	s11 =	sor.u32 s30, s14  }
0x3d: {  	s15 =	smulhi.u32 $0x218D6287, s11;
	_ =	sdelay $0x1  }
0x3e: {  	s14 =	smulhi.u32 $0x218D6287, s14;
	s15 =	sshrl.u32 s15, $0x11  }
0x3f: {  	s15 =	smul.u32 $0xF4280, s15  }
0x40: {  	s14 =	sshrl.u32 s14, $0x11  }
.Ltmp4:
0x41: {  	s14 =	sand.u32 $0x3F, s14;
	s11 =	ssub.s32 s11, s15;
	(pc) =	sbr.rel .LBB1_5-.Ltmp4, $4  }
0x42: {  	[tilespmem:s13+$0x810 ss:$0x81] =	vst.msk $0xffff, v2;
	s14 =	smul.u32 $0x1E850, s14;
	s15 =	sshrl.u32 s11, $0x3;
	s11 =	sand.u32 $0x7, s11  }
0x43: {  	[tilespmem:s13+$0x1020 ss:$0x81] =	vst.msk $0xffff, v0;
	s15 =	sadd.s32 s2, s15;
	s11 =	sshll.u32 s11, $0x12  }
0x44: {  	[tilespmem:s13+$0x0 ss:$0x81] =	vst.msk $0xffff, v1;
	s31 =	sadd.s32 s14, s15;
	s11 =	sor.u32 $0x400, s11  }
0x45: {  	[hbm4b:s31+s11] =	stream.strided.scatter [tilespmem:s12], [sflag:$0x2], $0x2000, s8, s11, $0x20;
	[tilespmem:$0x8080] =	vst v63  }
.LBB1_6:
0x46: {  	_ =	sfence.sel $0x180000  }
0x47: {  	s2 =	simm.s32 $0x1;
	[bflag:$0x0] =	sbarrier.arrive $0xFFFF  }
0x48: {  	s31 =	simm.s32 $0x2;
	[sflag:s2] =	ssyncpa.u1 $0x1  }
0x49: {  	[sflag:s31] =	ssyncpa.u1 $0x1  }
0x4a: {  	p0 =	sne.s32 s1, $0x0;
	_ =	strace $0x90000047  }
0x4b: {  	s0 =	sadd.s32 @!p0 $0x100000, s0;
	[bflag:$0x2] =	sbarrier.arrive $0xFFFF  }
0x4c: {  	[sflag:s0] =	ssyncadd.tile.s32 @!p0 $0x1;
	_ =	shalt  }
.Lfunc_end1:
_tile_overlayer_lowered:
.L_overlay_start_2:
0x4d: {  	(tag) =	ssettag $0x2  }
0x4e: {  	s0 =	rddreg [dreg:$0x0];
	s2 =	stileid.u32  }
0x4f: {  	s1 =	rddreg [dreg:$0x1];
	p0 =	sne.s32 s2, $0x0  }
0x50: {  	s3 =	rddreg [dreg:$0x2];
	[bflag:$0x3] =	sbarrier.arrive $0xFFFF;
	s2 =	simm.s32 @!p0 $0x1C01  }
0x51: {  	[timem:s3], [sflag:s2] =	dma.local @!p0 [hbm:s0], s1  }
0x52: {  	s0 =	simm.s32 @!p0 $0x1  }
0x53: {  	_ =	swait.ge @!p0 [sflag:s0], s1  }
0x54: {  	s1 =	ssub.s32 @!p0 $0x0, s1;
	[sflag:s0] =	ssyncset.done @!p0 $0x0  }
0x55: {  	[sflag:s0] =	ssyncadd.s32 @!p0 s1  }
0x56: {  	[bflag:$0x3] =	sbarrier.arrive $0xFFFF  }
0x57: {  	_ =	shalt  }

</sc_bundles>
